<compile_context>
chip_gen: v7x
topology: tpu7x:2x2x1
jax: 0.10.2.dev20260603
libtpu: 0.0.44.dev20260713+nightly
codegen_flags: <defaults>
</compile_context>

<pallas_src>
import jax
import jax.numpy as jnp
from jax.experimental import pallas as pl

FEAT = 115
EMB = 13
T = 13
OUT = FEAT + EMB
IN_ROW = T * FEAT
OUT_ROW = T * OUT

BLOCK_ROWS = 1000


def _concat_kernel(data_ref, embp_ref, out_ref):
    d = data_ref[...]
    parts = [
        jnp.pad(d[:, t * FEAT:(t + 1) * FEAT], ((0, 0), (0, EMB)))
        for t in range(T)
    ]
    out_ref[...] = jnp.concatenate(parts, axis=1) + embp_ref[...]


def kernel(data, emb_table):
    g, n, t, f = data.shape
    rows = g * n
    data2 = data.reshape(rows, IN_ROW)
    embp = jnp.pad(emb_table, ((0, 0), (FEAT, 0))).reshape(1, OUT_ROW)

    out = pl.pallas_call(
        _concat_kernel,
        grid=(rows // BLOCK_ROWS,),
        in_specs=[
            pl.BlockSpec((BLOCK_ROWS, IN_ROW), lambda i: (i, 0)),
            pl.BlockSpec((1, OUT_ROW), lambda i: (0, 0)),
        ],
        out_specs=pl.BlockSpec((BLOCK_ROWS, OUT_ROW), lambda i: (i, 0)),
        out_shape=jax.ShapeDtypeStruct((rows, OUT_ROW), data.dtype),
    )(data2, embp)
    return out.reshape(g, n, t, OUT)

# --- scband reference (transcript-rebuilt; emitter-appended) ---
"""Pipeline reference for scband-add-time-embedding-17300128268596 (READ-ONLY COPY).

The authoritative reference and input builder live on the scoring server;
editing this copy changes nothing except your own understanding.
"""

import jax, jax.numpy as jnp
import numpy as np


def setup_inputs(seed: int = 0) -> dict:
    key = jax.random.key(seed)
    k1, k2 = jax.random.split(key)
    # forward input: data[num_graphs, num_nodes, timesteps, feat]
    data = jax.random.normal(k1, (4, 10000, 13, 115), dtype=jnp.float32)
    # learned parameter: nn.Embedding(timesteps=13, embedding_dim=13)
    emb_table = jax.random.normal(k2, (13, 13), dtype=jnp.float32)
    return {"data": data, "emb_table": emb_table}


def reference(data, emb_table):
    num_graphs = data.shape[0]
    num_nodes = data.shape[1]
    timesteps = data.shape[2]
    # torch.arange(T).expand(G, N, T)
    time_indices = jnp.broadcast_to(jnp.arange(timesteps), (num_graphs, num_nodes, timesteps))
    # embedding lookup: table[idx] -> [G, N, T, emb_dim]; squeeze(3) is a no-op since emb_dim != 1
    emb = jnp.take(emb_table, time_indices, axis=0)
    # cat along last dim -> [G, N, T, feat + emb_dim]
    return jnp.concatenate((data, emb), axis=-1)

if __name__ == "__main__":
    import jax
    _d = setup_inputs()
    print(jax.jit(kernel)(*tuple(_d.values())))

</pallas_src>

<mosaic_0001>
module attributes {stable_mosaic.version = 14 : i64} {
  func.func @_concat_kernel(%arg0: i32, %arg1: memref<1000x1495xf32, #tpu.memory_space<vmem>>, %arg2: memref<1x1664xf32, #tpu.memory_space<vmem>>, %arg3: memref<1000x1664xf32, #tpu.memory_space<vmem>>) attributes {dimension_semantics = [#tpu.dimension_semantics<arbitrary>], iteration_bounds = array<i64: 40>, scalar_prefetch = 0 : i64, scratch_operands = 0 : i64, tpu.core_type = #tpu.core_type<tc>, window_params = [{transform_indices = @transform_0, window_bounds = array<i64: 1000, 1495>}, {pipeline_mode = #tpu.pipeline_mode<synchronous>, transform_indices = @transform_1, window_bounds = array<i64: 1, 1664>}, {transform_indices = @transform_2, window_bounds = array<i64: 1000, 1664>}]} {
    %get3A = arith.constant 0 : index
    %get3A_0 = arith.constant 0 : index
    %get3A_1 = vector.load %arg1[%get3A, %get3A_0] : memref<1000x1495xf32, #tpu.memory_space<vmem>>, vector<1000x1495xf32>
    %slice3A = vector.extract_strided_slice %get3A_1 {offsets = [0, 0], sizes = [1000, 115], strides = [1, 1]} : vector<1000x1495xf32> to vector<1000x115xf32>
    %jit3A = arith.constant 0 : i32
    %convert_element_type3A = arith.sitofp %jit3A : i32 to f32
    %pad3A = vector.broadcast %convert_element_type3A : f32 to vector<1000x13xf32>
    %pad3A_2 = tpu.concatenate %slice3A, %pad3A in 1 : vector<1000x115xf32>, vector<1000x13xf32> -> vector<1000x128xf32>
    %slice3A_3 = vector.extract_strided_slice %get3A_1 {offsets = [0, 115], sizes = [1000, 115], strides = [1, 1]} : vector<1000x1495xf32> to vector<1000x115xf32>
    %jit3A_4 = arith.constant 0 : i32
    %convert_element_type3A_5 = arith.sitofp %jit3A_4 : i32 to f32
    %pad3A_6 = vector.broadcast %convert_element_type3A_5 : f32 to vector<1000x13xf32>
    %pad3A_7 = tpu.concatenate %slice3A_3, %pad3A_6 in 1 : vector<1000x115xf32>, vector<1000x13xf32> -> vector<1000x128xf32>
    %slice3A_8 = vector.extract_strided_slice %get3A_1 {offsets = [0, 230], sizes = [1000, 115], strides = [1, 1]} : vector<1000x1495xf32> to vector<1000x115xf32>
    %jit3A_9 = arith.constant 0 : i32
    %convert_element_type3A_10 = arith.sitofp %jit3A_9 : i32 to f32
    %pad3A_11 = vector.broadcast %convert_element_type3A_10 : f32 to vector<1000x13xf32>
    %pad3A_12 = tpu.concatenate %slice3A_8, %pad3A_11 in 1 : vector<1000x115xf32>, vector<1000x13xf32> -> vector<1000x128xf32>
    %slice3A_13 = vector.extract_strided_slice %get3A_1 {offsets = [0, 345], sizes = [1000, 115], strides = [1, 1]} : vector<1000x1495xf32> to vector<1000x115xf32>
    %jit3A_14 = arith.constant 0 : i32
    %convert_element_type3A_15 = arith.sitofp %jit3A_14 : i32 to f32
    %pad3A_16 = vector.broadcast %convert_element_type3A_15 : f32 to vector<1000x13xf32>
    %pad3A_17 = tpu.concatenate %slice3A_13, %pad3A_16 in 1 : vector<1000x115xf32>, vector<1000x13xf32> -> vector<1000x128xf32>
    %slice3A_18 = vector.extract_strided_slice %get3A_1 {offsets = [0, 460], sizes = [1000, 115], strides = [1, 1]} : vector<1000x1495xf32> to vector<1000x115xf32>
    %jit3A_19 = arith.constant 0 : i32
    %convert_element_type3A_20 = arith.sitofp %jit3A_19 : i32 to f32
    %pad3A_21 = vector.broadcast %convert_element_type3A_20 : f32 to vector<1000x13xf32>
    %pad3A_22 = tpu.concatenate %slice3A_18, %pad3A_21 in 1 : vector<1000x115xf32>, vector<1000x13xf32> -> vector<1000x128xf32>
    %slice3A_23 = vector.extract_strided_slice %get3A_1 {offsets = [0, 575], sizes = [1000, 115], strides = [1, 1]} : vector<1000x1495xf32> to vector<1000x115xf32>
    %jit3A_24 = arith.constant 0 : i32
    %convert_element_type3A_25 = arith.sitofp %jit3A_24 : i32 to f32
    %pad3A_26 = vector.broadcast %convert_element_type3A_25 : f32 to vector<1000x13xf32>
    %pad3A_27 = tpu.concatenate %slice3A_23, %pad3A_26 in 1 : vector<1000x115xf32>, vector<1000x13xf32> -> vector<1000x128xf32>
    %slice3A_28 = vector.extract_strided_slice %get3A_1 {offsets = [0, 690], sizes = [1000, 115], strides = [1, 1]} : vector<1000x1495xf32> to vector<1000x115xf32>
    %jit3A_29 = arith.constant 0 : i32
    %convert_element_type3A_30 = arith.sitofp %jit3A_29 : i32 to f32
    %pad3A_31 = vector.broadcast %convert_element_type3A_30 : f32 to vector<1000x13xf32>
    %pad3A_32 = tpu.concatenate %slice3A_28, %pad3A_31 in 1 : vector<1000x115xf32>, vector<1000x13xf32> -> vector<1000x128xf32>
    %slice3A_33 = vector.extract_strided_slice %get3A_1 {offsets = [0, 805], sizes = [1000, 115], strides = [1, 1]} : vector<1000x1495xf32> to vector<1000x115xf32>
    %jit3A_34 = arith.constant 0 : i32
    %convert_element_type3A_35 = arith.sitofp %jit3A_34 : i32 to f32
    %pad3A_36 = vector.broadcast %convert_element_type3A_35 : f32 to vector<1000x13xf32>
    %pad3A_37 = tpu.concatenate %slice3A_33, %pad3A_36 in 1 : vector<1000x115xf32>, vector<1000x13xf32> -> vector<1000x128xf32>
    %slice3A_38 = vector.extract_strided_slice %get3A_1 {offsets = [0, 920], sizes = [1000, 115], strides = [1, 1]} : vector<1000x1495xf32> to vector<1000x115xf32>
    %jit3A_39 = arith.constant 0 : i32
    %convert_element_type3A_40 = arith.sitofp %jit3A_39 : i32 to f32
    %pad3A_41 = vector.broadcast %convert_element_type3A_40 : f32 to vector<1000x13xf32>
    %pad3A_42 = tpu.concatenate %slice3A_38, %pad3A_41 in 1 : vector<1000x115xf32>, vector<1000x13xf32> -> vector<1000x128xf32>
    %slice3A_43 = vector.extract_strided_slice %get3A_1 {offsets = [0, 1035], sizes = [1000, 115], strides = [1, 1]} : vector<1000x1495xf32> to vector<1000x115xf32>
    %jit3A_44 = arith.constant 0 : i32
    %convert_element_type3A_45 = arith.sitofp %jit3A_44 : i32 to f32
    %pad3A_46 = vector.broadcast %convert_element_type3A_45 : f32 to vector<1000x13xf32>
    %pad3A_47 = tpu.concatenate %slice3A_43, %pad3A_46 in 1 : vector<1000x115xf32>, vector<1000x13xf32> -> vector<1000x128xf32>
    %slice3A_48 = vector.extract_strided_slice %get3A_1 {offsets = [0, 1150], sizes = [1000, 115], strides = [1, 1]} : vector<1000x1495xf32> to vector<1000x115xf32>
    %jit3A_49 = arith.constant 0 : i32
    %convert_element_type3A_50 = arith.sitofp %jit3A_49 : i32 to f32
    %pad3A_51 = vector.broadcast %convert_element_type3A_50 : f32 to vector<1000x13xf32>
    %pad3A_52 = tpu.concatenate %slice3A_48, %pad3A_51 in 1 : vector<1000x115xf32>, vector<1000x13xf32> -> vector<1000x128xf32>
    %slice3A_53 = vector.extract_strided_slice %get3A_1 {offsets = [0, 1265], sizes = [1000, 115], strides = [1, 1]} : vector<1000x1495xf32> to vector<1000x115xf32>
    %jit3A_54 = arith.constant 0 : i32
    %convert_element_type3A_55 = arith.sitofp %jit3A_54 : i32 to f32
    %pad3A_56 = vector.broadcast %convert_element_type3A_55 : f32 to vector<1000x13xf32>
    %pad3A_57 = tpu.concatenate %slice3A_53, %pad3A_56 in 1 : vector<1000x115xf32>, vector<1000x13xf32> -> vector<1000x128xf32>
    %slice3A_58 = vector.extract_strided_slice %get3A_1 {offsets = [0, 1380], sizes = [1000, 115], strides = [1, 1]} : vector<1000x1495xf32> to vector<1000x115xf32>
    %jit3A_59 = arith.constant 0 : i32
    %convert_element_type3A_60 = arith.sitofp %jit3A_59 : i32 to f32
    %pad3A_61 = vector.broadcast %convert_element_type3A_60 : f32 to vector<1000x13xf32>
    %pad3A_62 = tpu.concatenate %slice3A_58, %pad3A_61 in 1 : vector<1000x115xf32>, vector<1000x13xf32> -> vector<1000x128xf32>
    %concatenate3A = tpu.concatenate %pad3A_2, %pad3A_7, %pad3A_12, %pad3A_17, %pad3A_22, %pad3A_27, %pad3A_32, %pad3A_37, %pad3A_42, %pad3A_47, %pad3A_52, %pad3A_57, %pad3A_62 in 1 : vector<1000x128xf32>, vector<1000x128xf32>, vector<1000x128xf32>, vector<1000x128xf32>, vector<1000x128xf32>, vector<1000x128xf32>, vector<1000x128xf32>, vector<1000x128xf32>, vector<1000x128xf32>, vector<1000x128xf32>, vector<1000x128xf32>, vector<1000x128xf32>, vector<1000x128xf32> -> vector<1000x1664xf32>
    %get3A_63 = arith.constant 0 : index
    %get3A_64 = arith.constant 0 : index
    %get3A_65 = vector.load %arg2[%get3A_63, %get3A_64] : memref<1x1664xf32, #tpu.memory_space<vmem>>, vector<1x1664xf32>
    %add3A = vector.broadcast %get3A_65 : vector<1x1664xf32> to vector<1000x1664xf32>
    %add3A_66 = arith.addf %concatenate3A, %add3A : vector<1000x1664xf32>
    %swap3A = arith.constant 0 : index
    %swap3A_67 = arith.constant 0 : index
    %swap3A_68 = vector.load %arg3[%swap3A, %swap3A_67] : memref<1000x1664xf32, #tpu.memory_space<vmem>>, vector<1000x1664xf32>
    tpu.vector_store %arg3[%swap3A, %swap3A_67], %add3A_66 {strides = array<i32>} : memref<1000x1664xf32, #tpu.memory_space<vmem>>, vector<1000x1664xf32>,
    return
  }
  func.func @transform_0(%arg0: i32) -> (i32, i32) {
    %c0_i32 = arith.constant 0 : i32
    %c0_i32_0 = arith.constant 0 : i32
    return %arg0, %c0_i32 : i32, i32
  }
  func.func @transform_1(%arg0: i32) -> (i32, i32) {
    %c0_i32 = arith.constant 0 : i32
    %c0_i32_0 = arith.constant 0 : i32
    %c0_i32_1 = arith.constant 0 : i32
    return %c0_i32, %c0_i32_0 : i32, i32
  }
  func.func @transform_2(%arg0: i32) -> (i32, i32) {
    %c0_i32 = arith.constant 0 : i32
    %c0_i32_0 = arith.constant 0 : i32
    return %arg0, %c0_i32 : i32, i32
  }
}

</mosaic_0001>

<sc_bundles>
// kernel: sparse-core-data-format-call.cloned.1.call-start
scs
called_computation_lowered:
.L_overlay_start_0:
0x0: {  	s2 =	sld [smem:$0x3FD9]  }
0x1: {  	s3 =	sld [smem:$0x3FFE];
	_ =	sdelay $0x1  }
0x2: {  	s1 =	srdreg.scid  }
0x3: {  	s0 =	sand.u32 $0x1, s1  }
0x4: {  	s18 =	sshll.u32 s0, $0xA;
	s2 =	sadd.s32 s3, s2  }
0x5: {  	s2 =	sadd.s32 s2, s18  }
0x6: {  	[smem:$0x3FC6] =	sst s2  }
0x7: {  	_ = 	snop  }
0x8: {  	s2 =	sld [smem:$0x3FD0];
	(tm) =	ssettm $0x1  }
0x9: {  	s19 =	sld [smem:$0x3FFB];
	_ =	sdelay $0x3  }
0xa: {  	_ =	strace s19  }
0xb: {  	s3 =	sld [smem:$0x3FFC];
	_ =	sdelay $0x3  }
0xc: {  	_ =	strace s3  }
0xd: {  	s3 =	sld [smem:$0x3FFD];
	_ =	sdelay $0x3  }
0xe: {  	_ =	strace s3  }
0xf: {  	_ =	strace $0x8FFFFFFF  }
0x10: {  	s20 =	sld [smem:$0x3FDB];
	_ =	sdelay $0x1  }
0x11: {  	s4 =	simm.s32 $_scs_section_size  }
0x12: {  	s5 =	simm.s32 $_size__tile_overlayer_lowered;
	s6 =	simm.s32 $_tile_overlayer_lowered  }
0x13: {  	s23 =	simm.s32 $0x1BFF;
	s22 =	sshll.u32 s6, $0x1;
	s3 =	sadd.s32 s4, s20  }
0x14: {  	s7 =	simm.s32 $0x0;
	s21 =	sshll.u32 s5, $0x1;
	s5 =	sadd.s32 s22, s3  }
0x15: {  	[timem:s7], [sflag:s23] =	dma.local [hbm:s5], s21  }
0x16: {  	_ =	swait.ge [sflag:s23], s21  }
0x17: {  	s4 =	ssub.s32 $0x0, s21;
	[sflag:s23] =	ssyncset.done $0x0  }
0x18: {  	[sflag:s23] =	ssyncadd.s32 s4;
	_ =	sdelay $0x1  }
0x19: {  	s24 =	simm.s32 $0x1B8B  }
0x1a: {  	_ =	swait.ge [sflag:s24], $0x1  }
0x1b: {  	[sflag:s24] =	ssyncset.done $0x0  }
0x1c: {  	s26 =	simm.s32 $0x1B8E;
	s25 =	sld [smem:$0x3FFE];
	[sflag:s24] =	ssyncadd.s32 $0xFFFFFFFF  }
0x1d: {  	s27 =	simm.s32 $execute0_lowered;
	[smem:$0x3FD2] =	sst s26  }
0x1e: {  	s5 =	sshll.u32 s27, $0x1;
	_ =	strace $0x80000046;
	[dreg:$0x1] =	wrdreg $0xFFFFFFFF  }
0x1f: {  	s28 =	simm.s32 $_size_execute0_lowered;
	s3 =	sadd.s32 s3, s5;
	[dreg:$0x0] =	wrdreg $0x0  }
0x20: {  	s5 =	sshll.u32 s28, $0x1;
	[dreg:$0x2] =	wrdreg s3  }
0x21: {  	[dreg:$0x3] =	wrdreg s5  }
0x22: {  	[dreg:$0x4] =	wrdreg $0xC0  }
0x23: {  	_ =	task [dreg:s7], $0x5FFFF  }
0x24: {  	[dreg:$0x1] =	wrdreg $0xFFFFFFFF  }
0x25: {  	[dreg:$0x0] =	wrdreg $0x60  }
0x26: {  	[dreg:$0x2] =	wrdreg s25  }
0x27: {  	[dreg:$0x3] =	wrdreg s2  }
0x28: {  	[dreg:$0x4] =	wrdreg $0x9  }
0x29: {  	_ =	task.clear_ibuf [dreg:s7], $0x5FFFF;
	_ =	strace $0x90000046  }
0x2a: {  	s29 =	simm.s32 $0x9;
	_ =	strace $0x80000048  }
0x2b: {  	_ =	swait.ge [sflag:s29], $0x1  }
0x2c: {  	[sflag:s29] =	ssyncadd.s32 $0xFFFFFFFF  }
0x2d: {  	_ =	strace $0x90000048  }
0x2e: {  	_ =	sfence  }
0x2f: {  	s30 =	sld [smem:$0x0];
	_ =	sdelay $0x2  }
0x30: {  	s31 =	sshll.u32 s1, $0xD;
	s1 =	sshrl.u32 s1, $0x2  }
0x31: {  	s3 =	sand.u32 $0x4000, s31;
	s1 =	sadd.s32 s1, s30  }
0x32: {  	s0 =	sor.u32 s3, s0;
	s1 =	sshll.u32 s1, $0x11  }
0x33: {  	s0 =	sor.u32 s1, s0  }
0x34: {  	s0 =	sadd.s32 $0x8F2B, s0  }
0x35: {  	[sflag:s0] =	ssyncadd.remote.s32 $0x1  }
0x36: {  	_ =	sfence.sel $0xFFFF  }
0x37: {  	[dreg:$0x0] =	wrdreg $0xFFFFFFFF;
	(pc) =	sbr.abs _section_cstart, $3  }
0x38: {  	[dreg:$0x1] =	wrdreg $0xFFFFFFFF  }
0x39: {  	_ =	task.clear_ibuf [dreg:s7], $0x2FFFF;
	_ =	strace $0x9FFFFFFF  }
0x3a: {  	(tm) =	ssettm $0x7FFFFFFF  }
0x3b: {  	_ =	shalt  }
tec
execute0_lowered:
.L_overlay_start_1:
0x0: {  	(tag) =	ssettag $0x1  }
0x1: {  	s4 =	stileid.u32  }
0x2: {  	s0 =	srdreg.scid;
	s2 =	rddreg [dreg:$0x0];
	_ =	strace $0x80000047  }
0x3: {  	s30 =	simm.s32 $0x1;
	s31 =	simm.s32 $0x2;
	s10 =	simm.s32 $0x0  }
0x4: {  	s19 =	simm.s32 $0x0;
	s1 =	sshll.u32 s4, $0x5;
	s0 =	sshll.u32 s0, $0x9  }
0x5: {  	s18 =	simm.s32 $0x0;
	s20 =	simm.s32 $0x0;
	s0 =	sor.u32 s1, s0  }
0x6: {  	s11 =	simm.s32 $0x0;
	s12 =	simm.s32 $0x0;
	s3 =	sand.u32 $0x380, s0  }
.Ltmp0:
0x7: {  	s13 =	simm.s32 $0x0;
	s0 =	ssub.s32 $0x2700, s3;
	(pc) =	sbr.rel .LBB1_1-.Ltmp0, $4  }
0x8: {  	s14 =	simm.s32 $0x0;
	s17 =	simm.s32 $0x0;
	s0 =	sshrl.u32 s0, $0xA  }
0x9: {  	[sflag:s30] =	ssyncpa.u1 $0x0;
	s6 =	sand.u32 $0x3, s4;
	s0 =	smul.u32 $0xD, s0  }
0xa: {  	s5 =	sadd.s32 $0x600, s2;
	[sflag:s31] =	ssyncpa.u1 $0x0;
	s16 =	smov.u32 s6  }
0xb: {  	s15 =	smov.u32 s3;
	s7 =	sadd.s32 $0xD, s0;
	s8 =	sadd.s32 $0xE, s0  }
.LBB1_13:
0xc: {  	s0 =	sand.u32 $0x1FFFFFF, s12;
	p0 =	sgt.s32 s11, $0xC;
	s2 =	smov.u32 s11  }
0xd: {  	s1 =	smulhi.u32 $0x1A36E2F, s0;
	s2 =	simm.s32 @!p0 $0xC  }
0xe: {  	s2 =	sadd.s32 s21, s2  }
0xf: {  	s27 =	smul.u32 $0x1FBD00, s13;
	s1 =	sshrl.u32 s1, $0x6;
	s4 =	sadd.s32 $0xFFFFFFF4, s2  }
0x10: {  	s2 =	ssub.s32 $0xD, s2;
	s1 =	smul.u32 $0x2710, s1;
	p0 =	sgt.s32 s4, $0x0  }
0x11: {  	s9 =	smul.u32 $0x27100, s11;
	s29 =	rddreg [dreg:$0x1];
	s2 =	simm.s32 @p0 $0x0  }
0x12: {  	s0 =	ssub.s32 s0, s1;
	s28 =	smul.u32 s2, s22;
	s2 =	sadd.s32 s29, s27  }
0x13: {  	s30 =	sor.u32 $0x8000, s23;
	s0 =	sshll.u32 s0, $0x4;
	s2 =	sadd.s32 s9, s2  }
0x14: {  	s31 =	simm.s32 $0x0;
	s1 =	sand.u32 $0x3FFFFF80, s28;
	s0 =	sadd.s32 s0, s2  }
0x15: {  	[hbm4b:s0+s31] =	stream.linear.scatter [tilespmem:s30], [sflag:$0x2], s1, $0x38;
	[tilespmem:$0x10000] =	vst v63  }
.LBB1_14:
0x16: {  	p0 =	slt.u32 s17, $0x2;
	s0 =	smov.u32 s20  }
0x17: {  	s2 =	smov.u32 s19;
	s4 =	smov.u32 s18;
	p1 =	sgt.s32 @!p0 s20, $0x3  }
0x18: {  	s1 =	sshra.s32 @!p0 s20, $0x1F;
	p2 =	sgt.s32 @!p0 s18, $0x2690;
	s9 =	sshra.s32 @!p0 s18, $0x1F  }
0x19: {  	p1 =	por !p1, p0;
	s1 =	sand.u32 @!p0 s1, s20;
	p2 =	por !p2, p0  }
0x1a: {  	s9 =	sand.u32 @!p0 s9, s18;
	s0 =	simm.s32 @p1 $0x3;
	p1 =	sgt.s32 @!p0 s19, $0xC  }
0x1b: {  	s0 =	ssub.s32 @!p0 s0, s1;
	p1 =	por !p1, p0;
	s1 =	sshra.s32 @!p0 s19, $0x1F  }
0x1c: {  	s4 =	simm.s32 @p2 $0x2690;
	s1 =	sand.u32 @!p0 s1, s19;
	s2 =	simm.s32 @p1 $0xC  }
0x1d: {  	s0 =	sadd.s32 @!p0 $0xFFFFFFFD, s0;
	s1 =	ssub.s32 @!p0 s2, s1;
	s2 =	ssub.s32 @!p0 s4, s9  }
0x1e: {  	p1 =	sgt.s32 @!p0 s0, $0x0;
	s0 =	sshll.u32 @!p0 s0, $0x7;
	s9 =	sadd.s32 @!p0 $0xFFFFD970, s2  }
0x1f: {  	s4 =	sadd.s32 @!p0 $0xFFFFFFF4, s1;
	s2 =	ssub.s32 @!p0 $0x2710, s2;
	p2 =	sgt.s32 @!p0 s9, $0x7F  }
0x20: {  	s0 =	ssub.s32 @!p0 $0x80, s0;
	p1 =	por !p1, p0;
	p2 =	por !p2, p0  }
0x21: {  	s0 =	simm.s32 @!p1 $0x0;
	s2 =	simm.s32 @!p2 $0x0;
	p2 =	sgt.s32 @!p0 s4, $0x0  }
0x22: {  	s1 =	ssub.s32 @!p0 $0xD, s1;
	p1 =	por !p2, p0;
	s0 =	smul.u32 @!p0 s2, s0  }
0x23: {  	s1 =	simm.s32 @!p1 $0x0  }
0x24: {  	s0 =	smul.u32 @!p0 s1, s0;
	s1 =	sadd.s32 $0x1, s14  }
0x25: {  	s4 =	smov.u32 s15;
	s2 =	sadd.s32 $0x400, s15;
	p1 =	sgt.s32 s1, $0xC  }
0x26: {  	s4 =	smov.u32 @p1 s2  }
0x27: {  	s21 =	smov.u32 s16;
	s2 =	sadd.s32 $0x4, s16;
	p2 =	sgt.s32 s4, $0x270F  }
0x28: {  	s10 =	sadd.s32 $0x4000, s10;
	s18 =	smov.u32 s12;
	s21 =	smov.u32 @p2 s2  }
0x29: {  	s20 =	smov.u32 s13;
	s1 =	simm.s32 @p1 $0x0;
	p1 =	sgt.s32 s21, $0x3  }
0x2a: {  	s12 =	smov.u32 s15;
	s21 =	smov.u32 @p1 s6;
	p1 =	sne.s32 s17, s8  }
.Ltmp1:
0x2b: {  	s9 =	simm.s32 @!p0 $0x2;
	s0 =	sand.u32 @!p0 $0x3FFFFF80, s0;
	(pc) =	sbr.rel @!p1 .LBB1_15-.Ltmp1, $4  }
0x2c: {  	s13 =	smov.u32 s16;
	s19 =	smov.u32 s11;
	_ =	swait.ge @!p0 [sflag:s9], s0  }
0x2d: {  	s11 =	smov.u32 s14;
	s0 =	ssub.s32 @!p0 $0x0, s0;
	[sflag:s9] =	ssyncset.done @!p0 $0x0  }
0x2e: {  	s14 =	smov.u32 s1;
	s4 =	smov.u32 @p2 s3;
	[sflag:s9] =	ssyncadd.s32 @!p0 s0  }
0x2f: {  	s15 =	smov.u32 s4;
	s17 =	sadd.s32 $0x1, s17;
	s16 =	smov.u32 s21  }
.LBB1_1:
0x30: {  	p0 =	sge.u32 s17, s7;
	s0 =	smov.u32 s16  }
0x31: {  	s4 =	smov.u32 s15;
	p1 =	sgt.s32 @!p0 s16, $0x3;
	s1 =	sxor.u32 @!p0 $0xFFFFFFFF, s17  }
0x32: {  	s2 =	sshra.s32 @!p0 s16, $0x1F;
	s9 =	sshra.s32 @!p0 s15, $0x1F;
	p1 =	por !p1, p0  }
0x33: {  	s2 =	sand.u32 @!p0 s2, s16;
	s0 =	simm.s32 @p1 $0x3;
	p1 =	sgt.s32 @!p0 s15, $0x2690  }
0x34: {  	s9 =	sand.u32 @!p0 s9, s15;
	p1 =	por !p1, p0;
	s0 =	ssub.s32 @!p0 s0, s2  }
0x35: {  	s4 =	simm.s32 @p1 $0x2690;
	p1 =	sgt.s32 @!p0 s14, $0xF;
	s0 =	sadd.s32 @!p0 $0xFFFFFFFD, s0  }
0x36: {  	s2 =	ssub.s32 @!p0 s4, s9;
	p1 =	por !p1, p0;
	s9 =	smov.u32 s14  }
0x37: {  	s4 =	sadd.s32 @!p0 $0xFFFFD970, s2;
	s9 =	simm.s32 @p1 $0xF;
	p1 =	sgt.s32 @!p0 s0, $0x0  }
0x38: {  	s0 =	sshll.u32 @!p0 s0, $0x7;
	p2 =	sgt.s32 @!p0 s4, $0x7F;
	s4 =	sshra.s32 @!p0 s14, $0x1F  }
0x39: {  	s2 =	ssub.s32 @!p0 $0x2710, s2;
	s0 =	ssub.s32 @!p0 $0x80, s0;
	s4 =	sand.u32 @!p0 s4, s14  }
0x3a: {  	p1 =	por !p1, p0;
	p2 =	por !p2, p0;
	s4 =	ssub.s32 @!p0 s9, s4  }
0x3b: {  	s0 =	simm.s32 @!p1 $0x0;
	s2 =	simm.s32 @!p2 $0x0;
	s9 =	sadd.s32 @!p0 $0xFFFFFFF1, s4  }
0x3c: {  	s1 =	sshll.u32 @!p0 s1, $0xE;
	s0 =	smul.u32 @!p0 s2, s0;
	p2 =	sgt.s32 @!p0 s9, $0x0  }
0x3d: {  	s4 =	ssub.s32 @!p0 $0x10, s4;
	s2 =	smul.u32 @!p0 $0x271000, s16;
	p1 =	por !p2, p0  }
0x3e: {  	s1 =	sand.u32 @!p0 $0x4000, s1;
	s9 =	sshll.u32 @!p0 s14, $0x4;
	s4 =	simm.s32 @!p1 $0x0  }
0x3f: {  	s2 =	sadd.s32 @!p0 s5, s2;
	s0 =	smul.u32 @!p0 s4, s0;
	s4 =	sshll.u32 @!p0 s15, $0x8  }
0x40: {  	s9 =	sand.u32 @!p0 $0xF0, s9;
	s2 =	sadd.s32 @!p0 s4, s2;
	s4 =	simm.s32 @!p0 $0x80  }
0x41: {  	s0 =	sand.u32 @!p0 $0x3FFFFF80, s0;
	s2 =	sadd.s32 @!p0 s9, s2;
	s9 =	simm.s32 @!p0 $0x800  }
0x42: {  	[tilespmem:s1], [sflag:$0x1] =	stream.strided.gather @!p0 [hbm4b:s2+s4], s0, s9, s4, $0x38;
	[tilespmem:$0x10000] =	vst v63  }
0x43: {  	p0 =	seq.s32 s17, $0x0  }
0x44: {  	p1 =	sge.u32 @!p0 s17, s8  }
0x45: {  	p0 =	por p0, p1  }
.Ltmp2:
0x46: {  	_ = 	snop;
	(pc) =	sbr.rel @p0 .LBB1_14-.Ltmp2, $1  }
0x47: {  	_ =	sdelay $0x3  }
0x48: {  	p0 =	sgt.s32 s13, $0x3  }
0x49: {  	s0 =	smov.u32 s13;
	s1 =	sshra.s32 s13, $0x1F;
	s2 =	sshra.s32 s12, $0x1F  }
0x4a: {  	s26 =	ssub.s32 $0x0, s11;
	s27 =	sshra.s32 s11, $0x1F;
	p1 =	sgt.s32 s11, $0xF  }
0x4b: {  	s9 =	smov.u32 s11;
	s0 =	simm.s32 @!p0 $0x3;
	s1 =	sand.u32 s1, s13  }
0x4c: {  	p0 =	sgt.s32 s12, $0x2690;
	s0 =	ssub.s32 s0, s1;
	s1 =	smov.u32 s12  }
0x4d: {  	s2 =	sand.u32 s2, s12;
	s21 =	sand.u32 s26, s27;
	s1 =	simm.s32 @!p0 $0x2690  }
0x4e: {  	s9 =	simm.s32 @!p1 $0xF;
	s4 =	sadd.s32 $0xFFFFFFFD, s0;
	s1 =	ssub.s32 s1, s2  }
0x4f: {  	s0 =	ssub.s32 $0x4, s0;
	p0 =	sgt.s32 s4, $0x0;
	s22 =	sadd.s32 $0xFFFFD970, s1  }
0x50: {  	s2 =	sadd.s32 s21, s9;
	s1 =	ssub.s32 $0x2710, s1;
	p1 =	sgt.s32 s22, $0x7F  }
0x51: {  	s0 =	simm.s32 @p0 $0x0;
	s28 =	sadd.s32 $0xFFFFFFF1, s2;
	s1 =	simm.s32 @p1 $0x0  }
0x52: {  	p0 =	sgt.s32 s28, $0x0;
	s0 =	smul.u32 s0, s1;
	s1 =	ssub.s32 $0x10, s2  }
0x53: {  	s2 =	sadd.s32 $0x1, s13;
	s1 =	simm.s32 @p0 $0x0  }
0x54: {  	p0 =	slt.s32 s2, $0x4;
	s22 =	sshll.u32 s0, $0x7;
	s0 =	sadd.s32 $0x80, s12  }
0x55: {  	s2 =	simm.s32 @!p0 $0x4;
	p0 =	slt.s32 s0, $0x2710  }
0x56: {  	s24 =	ssub.s32 s2, s13;
	s2 =	sadd.s32 $0x1, s11;
	s0 =	simm.s32 @!p0 $0x2710  }
0x57: {  	p0 =	slt.s32 s2, $0xD;
	p1 =	slt.s32 s24, $0x1;
	s25 =	ssub.s32 s0, s12  }
0x58: {  	s2 =	simm.s32 @!p0 $0xD;
	p0 =	slt.s32 @!p1 s25, $0x1  }
0x59: {  	s26 =	ssub.s32 s2, s11;
	p0 =	por p1, p0  }
0x5a: {  	p1 =	slt.s32 @!p0 s26, $0x1  }
0x5b: {  	s1 =	smul.u32 s1, s22;
	p0 =	por p0, p1  }
.Ltmp3:
0x5c: {  	_ = 	snop;
	(pc) =	sbr.rel @p0 .LBB1_13-.Ltmp3, $4  }
0x5d: {  	s30 =	simm.s32 $0x1;
	s29 =	sand.u32 $0x3FFFFF80, s1  }
0x5e: {  	_ =	swait.ge [sflag:s30], s29  }
0x5f: {  	s31 =	sshll.u32 s17, $0xE;
	s1 =	ssub.s32 $0x0, s29;
	[sflag:s30] =	ssyncset.done $0x0  }
0x60: {  	s23 =	sand.u32 $0x4000, s31;
	[sflag:s30] =	ssyncadd.s32 s1  }
.Ltmp4:
0x61: {  	(pc) =	sbr.rel .LBB1_4-.Ltmp4, $3  }
0x62: {  	_ =	sdelay $0x1  }
0x63: {  	s0 =	sand.u32 $0x4000, s10  }
0x64: {  	s28 =	simm.s32 $0x0;
	s1 =	sor.u32 $0x8000, s0  }
.LBB1_12:
0x65: {  	s28 =	sadd.s32 $0x1, s28  }
0x66: {  	p0 =	sne.s32 s28, s24  }
.Ltmp5:
0x67: {  	_ = 	snop;
	(pc) =	sbr.rel @!p0 .LBB1_13-.Ltmp5, $2  }
0x68: {  	_ =	sdelay $0x2  }
0x69: {  	s1 =	sadd.s32 $0x4000, s1  }
.LBB1_4:
0x6a: {  	s0 =	sshll.u32 s28, $0x10  }
0x6b: {  	s0 =	sshra.s32 s0, $0x2  }
0x6c: {  	s30 =	simm.s32 $0x0;
	s31 =	simm.s32 $0x0;
	s29 =	sadd.s32 s0, s23  }
.LBB1_5:
0x6d: {  	s0 =	sshll.u32 s30, $0x2  }
0x6e: {  	s2 =	sshll.u32 s31, $0x7;
	s0 =	sand.u32 $0xFE00, s0  }
0x6f: {  	p1 =	sne.s32 s26, $0x1;
	s2 =	sadd.s32 s2, s29;
	s0 =	sshrl.u32 s0, $0x2  }
.Ltmp6:
0x70: {  	v1 =	vmov s2;
	v0 =	vmov s0;
	(pc) =	sbr.rel @!p1 .LBB1_6-.Ltmp6, $3  }
0x71: {  	_ =	sdelay $0x1  }
0x72: {  	s4 =	simm.s32 $0x0  }
0x73: {  	p0 =	por $0x0, $0x0;
	s2 =	sand.u32 $0x380, s4;
	s4 =	sadd.s32 $0xFFFFFFFF, s26  }
0x74: {  	_ =	sdelay $0x3  }
0x75: {  	v7 =	vld.idx.msk [tilespmem:v1+s2+$0x70 ss:$0x1], $0xffff  }
0x76: {  	v8 =	vld.idx.msk [tilespmem:v1+s2+$0x0 ss:$0x1], $0xffff  }
0x77: {  	v2 =	vld.idx.msk [tilespmem:v1+s2+$0x10 ss:$0x1], $0xffff;
	p1 =	sne.s32 s4, $0x1  }
.Ltmp7:
0x78: {  	v3 =	vld.idx.msk [tilespmem:v1+s2+$0x20 ss:$0x1], $0xffff;
	(pc) =	sbr.rel @!p1 .LBB1_8-.Ltmp7, $4  }
0x79: {  	v4 =	vld.idx.msk [tilespmem:v1+s2+$0x30 ss:$0x1], $0xffff  }
0x7a: {  	v5 =	vld.idx.msk [tilespmem:v1+s2+$0x40 ss:$0x1], $0xffff  }
0x7b: {  	v6 =	vld.idx.msk [tilespmem:v1+s2+$0x50 ss:$0x1], $0xffff;
	s9 =	simm.s32 $0x80;
	s4 =	sadd.s32 $0xFFFFFFFF, s4;
	[tilespmem:v0+s1+$0x70 ss:$0x1] =	vst.idx.msk $0xffff, v7  }
0x7c: {  	p0 =	por $0x1, $0x1;
	s27 =	smov.u32 s1;
	s0 =	sand.u32 $0x380, s9;
	[tilespmem:v0+s1+$0x0 ss:$0x1] =	vst.idx.msk $0xffff, v8;
	v7 =	vld.idx.msk [tilespmem:v1+s2+$0x60 ss:$0x1], $0xffff  }
.LBB1_9:
0x7d: {  	p1 =	sne.s32 s4, $0x1;
	v8 =	vld.idx.msk [tilespmem:v1+s0+$0x70 ss:$0x1], $0xffff;
	[tilespmem:v0+s27+$0x10 ss:$0x1] =	vst.idx.msk $0xffff, v2  }
0x7e: {  	v9 =	vld.idx.msk [tilespmem:v1+s0+$0x0 ss:$0x1], $0xffff;
	[tilespmem:v0+s27+$0x20 ss:$0x1] =	vst.idx.msk $0xffff, v3  }
0x7f: {  	v2 =	vld.idx.msk [tilespmem:v1+s0+$0x10 ss:$0x1], $0xffff;
	[tilespmem:v0+s27+$0x30 ss:$0x1] =	vst.idx.msk $0xffff, v4  }
.Ltmp8:
0x80: {  	v3 =	vld.idx.msk [tilespmem:v1+s0+$0x20 ss:$0x1], $0xffff;
	[tilespmem:v0+s27+$0x40 ss:$0x1] =	vst.idx.msk $0xffff, v5;
	(pc) =	sbr.rel @p1 .LBB1_9-.Ltmp8, $4  }
0x81: {  	v4 =	vld.idx.msk [tilespmem:v1+s0+$0x30 ss:$0x1], $0xffff;
	[tilespmem:v0+s27+$0x50 ss:$0x1] =	vst.idx.msk $0xffff, v6  }
0x82: {  	v5 =	vld.idx.msk [tilespmem:v1+s0+$0x40 ss:$0x1], $0xffff;
	[tilespmem:v0+s27+$0x60 ss:$0x1] =	vst.idx.msk $0xffff, v7;
	s27 =	sadd.s32 $0x4000, s27  }
0x83: {  	s9 =	sadd.s32 $0x80, s9;
	v6 =	vld.idx.msk [tilespmem:v1+s0+$0x50 ss:$0x1], $0xffff;
	[tilespmem:v0+s27+$0x70 ss:$0x1] =	vst.idx.msk $0xffff, v8  }
0x84: {  	s4 =	sadd.s32 $0xFFFFFFFF, s4;
	[tilespmem:v0+s27+$0x0 ss:$0x1] =	vst.idx.msk $0xffff, v9;
	v7 =	vld.idx.msk [tilespmem:v1+s0+$0x60 ss:$0x1], $0xffff;
	s0 =	sand.u32 $0x380, s9  }
0x85: {  	s2 =	smov.u32 s0  }
.LBB1_11:
0x86: {  	_ =	sdelay $0x3  }
0x87: {  	[tilespmem:v0+s27+$0x10 ss:$0x1] =	vst.idx.msk @p0 $0xffff, v2  }
0x88: {  	v56 =	vld.idx.msk [tilespmem:v1+s2+$0x70 ss:$0x1], $0xffff;
	[tilespmem:v0+s27+$0x20 ss:$0x1] =	vst.idx.msk @p0 $0xffff, v3  }
0x89: {  	v57 =	vld.idx.msk [tilespmem:v1+s2+$0x0 ss:$0x1], $0xffff;
	[tilespmem:v0+s27+$0x30 ss:$0x1] =	vst.idx.msk @p0 $0xffff, v4  }
0x8a: {  	v58 =	vld.idx.msk [tilespmem:v1+s2+$0x10 ss:$0x1], $0xffff;
	[tilespmem:v0+s27+$0x40 ss:$0x1] =	vst.idx.msk @p0 $0xffff, v5  }
0x8b: {  	v59 =	vld.idx.msk [tilespmem:v1+s2+$0x20 ss:$0x1], $0xffff;
	s0 =	sadd.s32 @p0 $0x4000, s27;
	s4 =	smov.u32 s1;
	[tilespmem:v0+s27+$0x50 ss:$0x1] =	vst.idx.msk @p0 $0xffff, v6  }
0x8c: {  	v60 =	vld.idx.msk [tilespmem:v1+s2+$0x30 ss:$0x1], $0xffff;
	s4 =	smov.u32 @p0 s0;
	[tilespmem:v0+s27+$0x60 ss:$0x1] =	vst.idx.msk @p0 $0xffff, v7  }
0x8d: {  	v61 =	vld.idx.msk [tilespmem:v1+s2+$0x40 ss:$0x1], $0xffff;
	[tilespmem:v0+s4+$0x70 ss:$0x1] =	vst.idx.msk $0xffff, v56  }
0x8e: {  	v62 =	vld.idx.msk [tilespmem:v1+s2+$0x50 ss:$0x1], $0xffff;
	s31 =	sadd.s32 $0x1, s31;
	[tilespmem:v0+s4+$0x0 ss:$0x1] =	vst.idx.msk $0xffff, v57  }
0x8f: {  	v63 =	vld.idx.msk [tilespmem:v1+s2+$0x60 ss:$0x1], $0xffff;
	p0 =	sne.s32 s31, s25;
	[tilespmem:v0+s4+$0x10 ss:$0x1] =	vst.idx.msk $0xffff, v58  }
.Ltmp9:
0x90: {  	[tilespmem:v0+s4+$0x20 ss:$0x1] =	vst.idx.msk $0xffff, v59;
	(pc) =	sbr.rel @p0 .LBB1_5-.Ltmp9, $4  }
.Ltmp10:
0x91: {  	[tilespmem:v0+s4+$0x30 ss:$0x1] =	vst.idx.msk $0xffff, v60;
	(pc) =	sbr.rel @!p0 .LBB1_12-.Ltmp10, $4  }
0x92: {  	[tilespmem:v0+s4+$0x40 ss:$0x1] =	vst.idx.msk $0xffff, v61  }
0x93: {  	[tilespmem:v0+s4+$0x50 ss:$0x1] =	vst.idx.msk $0xffff, v62  }
0x94: {  	s30 =	sadd.s32 $0x80, s30;
	[tilespmem:v0+s4+$0x60 ss:$0x1] =	vst.idx.msk $0xffff, v63  }
0x95: {  	_ = 	snop  }
.LBB1_6:
.Ltmp11:
0x96: {  	(pc) =	sbr.rel .LBB1_11-.Ltmp11, $2  }
0x97: {  	_ =	sdelay $0x2  }
0x98: {  	s27 =	smov.u32 s1  }
.LBB1_8:
.Ltmp12:
0x99: {  	(pc) =	sbr.rel .LBB1_11-.Ltmp12, $2  }
0x9a: {  	_ =	sdelay $0x2  }
0x9b: {  	s2 =	smov.u32 s0;
	s27 =	smov.u32 s1  }
.LBB1_15:
0x9c: {  	_ =	sfence.sel $0x180000  }
0x9d: {  	s0 =	simm.s32 $0x1;
	[bflag:$0x0] =	sbarrier.arrive $0xFFFF  }
0x9e: {  	s30 =	simm.s32 $0x2;
	[sflag:s0] =	ssyncpa.u1 $0x1  }
0x9f: {  	[sflag:s30] =	ssyncpa.u1 $0x1  }
0xa0: {  	_ =	strace $0x90000047  }
0xa1: {  	s31 =	stileid.u32;
	[bflag:$0x2] =	sbarrier.arrive $0xFFFF  }
0xa2: {  	p0 =	sne.s32 s31, $0x0;
	s0 =	rddreg [dreg:$0x2]  }
0xa3: {  	s0 =	sadd.s32 @!p0 $0x100000, s0  }
0xa4: {  	[sflag:s0] =	ssyncadd.tile.s32 @!p0 $0x1;
	_ =	shalt  }
.Lfunc_end1:
_tile_overlayer_lowered:
.L_overlay_start_2:
0xa5: {  	(tag) =	ssettag $0x2  }
0xa6: {  	s0 =	rddreg [dreg:$0x0];
	s2 =	stileid.u32  }
0xa7: {  	s1 =	rddreg [dreg:$0x1];
	p0 =	sne.s32 s2, $0x0  }
0xa8: {  	s3 =	rddreg [dreg:$0x2];
	[bflag:$0x3] =	sbarrier.arrive $0xFFFF;
	s2 =	simm.s32 @!p0 $0x1C01  }
0xa9: {  	[timem:s3], [sflag:s2] =	dma.local @!p0 [hbm:s0], s1  }
0xaa: {  	s0 =	simm.s32 @!p0 $0x1  }
0xab: {  	_ =	swait.ge @!p0 [sflag:s0], s1  }
0xac: {  	s1 =	ssub.s32 @!p0 $0x0, s1;
	[sflag:s0] =	ssyncset.done @!p0 $0x0  }
0xad: {  	[sflag:s0] =	ssyncadd.s32 @!p0 s1  }
0xae: {  	[bflag:$0x3] =	sbarrier.arrive $0xFFFF  }
0xaf: {  	_ =	shalt  }

</sc_bundles>
